<compile_context>
chip_gen: v7x
topology: tpu7x:2x2x1
jax: 0.10.2.dev20260603
libtpu: 0.0.44.dev20260713+nightly
codegen_flags: <defaults>
</compile_context>

<pallas_src>
import functools

import jax
import jax.numpy as jnp
import numpy as np
from jax import lax
from jax.experimental import pallas as pl
from jax.experimental.pallas import tpu as pltpu
from jax.experimental.pallas import tpu_sc as plsc

_IMG_SIZE = 224
_CENTERS_LEFT = [4, 1, 2, 24, 19, 16, 31, 31, 34, 34, 37, 43]
_CENTERS_RIGHT = [5, 8, 7, 29, 24, 16, 37, 37, 34, 34, 45, 47]
_LOC_SCALE = [0.5, 0.33, -0.5, 0.25, 0.0, 0.16, -0.16, 0.3, 0.0, -0.3, 0.5, -0.25]

_B, _C, _H, _W = 32, 256, 56, 56
_HW = _H * _W
_SCALE = min(_H, _W) / _IMG_SIZE
_NCTR = 12
_NLM = 49

_RNE_BIAS = np.float32(1.5 * 2**23)


def _rne(v):
    return (v + _RNE_BIAS) - _RNE_BIAS


_mesh = plsc.VectorSubcoreMesh(core_axis_name="c", subcore_axis_name="s",
                               num_cores=2)


@functools.partial(
    pl.kernel,
    mesh=_mesh,
    out_type=[
        jax.ShapeDtypeStruct((_NCTR, _B, _C), jnp.float32),
        jax.ShapeDtypeStruct((_NCTR, _B, _C), jnp.float32),
    ],
    scratch_types=[
        pltpu.VMEM((_B, 2, _NLM), jnp.float32),
        pltpu.VMEM((32,), jnp.int32),
        pltpu.VMEM((_B, _C), jnp.float32),
        pltpu.SemaphoreType.DMA,
        pltpu.SemaphoreType.DMA,
    ],
    compiler_params=pltpu.CompilerParams(needs_layout_passes=False),
)
def _sc_gather(rows_hbm, lm_hbm, enc_hbm, dec_hbm, lm_v, rid_v, buf_v,
               lm_sem, sem):
    w = lax.axis_index("s") * 2 + lax.axis_index("c")

    @pl.when(w < 2 * _NCTR)
    def _body():
        lm_copy = pltpu.async_copy(lm_hbm, lm_v, lm_sem)

        is_right = (w >= _NCTR).astype(jnp.int32)
        j = w - _NCTR * is_right
        cid_s = jnp.int32(0)
        lsj_s = jnp.float32(0)
        for i in range(_NCTR):
            m = (j == i).astype(jnp.int32)
            cid_s = cid_s + m * (_CENTERS_LEFT[i]
                                 + is_right * (_CENTERS_RIGHT[i] - _CENTERS_LEFT[i]))
            lsj_s = lsj_s + m.astype(jnp.float32) * _LOC_SCALE[i]
        cid = jnp.full((16,), cid_s, jnp.int32)
        lsj = jnp.full((16,), lsj_s, jnp.float32)

        lm_copy.wait()
        lanes = lax.iota(jnp.int32, 16)
        zero = jnp.zeros((16,), jnp.int32)
        one = jnp.full((16,), 1, jnp.int32)
        for k in range(2):
            b_vec = k * 16 + lanes
            xr = plsc.load_gather(lm_v, [b_vec, zero, jnp.full((16,), 22, jnp.int32)])
            yr = plsc.load_gather(lm_v, [b_vec, zero, jnp.full((16,), 25, jnp.int32)])
            scale = jnp.abs(xr - yr) * lsj
            x = plsc.load_gather(lm_v, [b_vec, zero, cid])
            y = plsc.load_gather(lm_v, [b_vec, one, cid]) + scale
            xi = _rne(_rne(x) * _SCALE).astype(jnp.int32)
            yi = _rne(_rne(y) * _SCALE).astype(jnp.int32)
            xi = jnp.clip(xi, 0, _W - 1)
            yi = jnp.clip(yi, 0, _H - 1)
            rid_v[pl.ds(k * 16, 16)] = b_vec * _HW + xi * _W + yi

        pltpu.async_copy(rows_hbm.at[rid_v], buf_v, sem).wait()

        @pl.when(is_right == 0)
        def _enc():
            pltpu.sync_copy(buf_v, enc_hbm.at[j])

        @pl.when(is_right == 1)
        def _dec():
            pltpu.sync_copy(buf_v, dec_hbm.at[j])


def kernel(tensor, landmarks):
    batch, channels, h, w = tensor.shape
    rows = tensor.transpose(0, 2, 3, 1).reshape(batch * h * w, channels)
    enc, dec = _sc_gather(rows, landmarks)
    return (enc.transpose(1, 0, 2), dec.transpose(1, 0, 2))

# --- scband reference (transcript-rebuilt; emitter-appended) ---
"""Pipeline reference for scband-feature-extraction-15461882266405 (READ-ONLY COPY).

The authoritative reference and input builder live on the scoring server;
editing this copy changes nothing except your own understanding.
"""

import jax, jax.numpy as jnp
import numpy as np

# Assumed config constants (the torch module reads these from a global `config`).
IMG_SIZE = 224
INDS = list(range(12))
AU_CENTERS_LEFT = [4, 1, 2, 24, 19, 16, 31, 31, 34, 34, 37, 43]
AU_CENTERS_RIGHT = [5, 8, 7, 29, 24, 16, 37, 37, 34, 34, 45, 47]
LOCATION_SCALE = [0.5, 0.33, -0.5, 0.25, 0.0, 0.16, -0.16, 0.3, 0.0, -0.3, 0.5, -0.25]

CENTER_LEFT = jnp.array([AU_CENTERS_LEFT[i] for i in INDS], dtype=jnp.int32)
CENTER_RIGHT = jnp.array([AU_CENTERS_RIGHT[i] for i in INDS], dtype=jnp.int32)
LOC_SCALE = jnp.array([LOCATION_SCALE[i] for i in INDS], dtype=jnp.float32)


def setup_inputs(seed: int = 0) -> dict:
    key = jax.random.key(seed)
    k1, k2 = jax.random.split(key)
    tensor = jax.random.normal(k1, (32, 256, 56, 56), dtype=jnp.float32)
    landmarks = jax.random.uniform(k2, (32, 2, 49), dtype=jnp.float32)
    return {"tensor": tensor, "landmarks": landmarks}


def _au_centers(landmarks):
    ruler = jnp.abs(landmarks[:, 0, 22] - landmarks[:, 0, 25])
    scales = ruler[:, None] * LOC_SCALE
    centers_left_x = landmarks[:, 0, CENTER_LEFT]
    centers_right_x = landmarks[:, 0, CENTER_RIGHT]
    centers_left_y = landmarks[:, 1, CENTER_LEFT] + scales
    centers_right_y = landmarks[:, 1, CENTER_RIGHT] + scales
    left = jnp.round(jnp.stack((centers_left_x, centers_left_y), axis=1))
    right = jnp.round(jnp.stack((centers_right_x, centers_right_y), axis=1))
    return left, right


def reference(tensor, landmarks):
    batch, channels, h, w = tensor.shape
    left, right = _au_centers(landmarks)
    spatial_scale = min(h, w) / IMG_SIZE
    left = jax.lax.stop_gradient(jnp.round(left * spatial_scale)).astype(jnp.int32)
    right = jax.lax.stop_gradient(jnp.round(right * spatial_scale)).astype(jnp.int32)
    left = left.at[:, 0].set(jnp.clip(left[:, 0], 0, w - 1))
    left = left.at[:, 1].set(jnp.clip(left[:, 1], 0, h - 1))
    right = right.at[:, 0].set(jnp.clip(right[:, 0], 0, w - 1))
    right = right.at[:, 1].set(jnp.clip(right[:, 1], 0, h - 1))
    n_centers = left.shape[-1]
    b_idx = jnp.repeat(jnp.arange(batch), n_centers)
    to_encoder = tensor[b_idx, :, left[:, 0, :].flatten(), left[:, 1, :].flatten()].reshape(batch, n_centers, channels)
    to_decoder = tensor[b_idx, :, right[:, 0, :].flatten(), right[:, 1, :].flatten()].reshape(batch, n_centers, channels)
    return (to_encoder, to_decoder)

if __name__ == "__main__":
    import jax
    _d = setup_inputs()
    print(jax.jit(kernel)(*tuple(_d.values())))

</pallas_src>

<mosaic_0001>
#map = affine_map<(d0, d1) -> (0, 0)>
#map1 = affine_map<(d0, d1) -> (0, 0, 0)>
module attributes {stable_mosaic.version = 14 : i64} {
  func.func @_sc_gather(%arg0: i32, %arg1: i32, %arg2: memref<100352x256xf32, #tpu.memory_space<hbm>>, %arg3: memref<32x2x49xf32, #tpu.memory_space<hbm>>, %arg4: memref<12x32x256xf32, #tpu.memory_space<hbm>>, %arg5: memref<12x32x256xf32, #tpu.memory_space<hbm>>, %arg6: memref<32x2x49xf32, #tpu.memory_space<vmem>>, %arg7: memref<32xi32, #tpu.memory_space<vmem>>, %arg8: memref<32x256xf32, #tpu.memory_space<vmem>>, %arg9: memref<!tpu.dma_semaphore, #tpu.memory_space<semaphore_mem>>, %arg10: memref<!tpu.dma_semaphore, #tpu.memory_space<semaphore_mem>>) attributes {dimension_semantics = [#tpu.dimension_semantics<core_parallel>, #tpu.dimension_semantics<subcore_parallel>], iteration_bounds = array<i64: 2, 16>, scalar_prefetch = 0 : i64, scratch_operands = 5 : i64, tpu.core_type = #tpu.core_type<sc_vector_subcore>, window_params = [{transform_indices = #map}, {transform_indices = #map1}, {transform_indices = #map1}, {transform_indices = #map1}]} {
    %mul3A = arith.constant 2 : i32
    %mul3A_0 = arith.muli %arg1, %mul3A : i32
    %add3A = arith.addi %mul3A_0, %arg0 : i32
    %lt3A = arith.constant 24 : i32
    %lt3A_1 = arith.cmpi slt, %add3A, %lt3A : i32
    %convert_element_type3A = arith.extui %lt3A_1 : i1 to i32
    %cond3A = arith.constant 0 : i32
    %cond3A_2 = arith.cmpi ne, %convert_element_type3A, %cond3A : i32
    scf.if %cond3A_2 {
      tpu.enqueue_dma source(%arg3 : memref<32x2x49xf32, #tpu.memory_space<hbm>>) target(%arg6 : memref<32x2x49xf32, #tpu.memory_space<vmem>>) target_semaphore(%arg9 : memref<!tpu.dma_semaphore, #tpu.memory_space<semaphore_mem>>)
      %ge3A = arith.constant 12 : i32
      %ge3A_3 = arith.cmpi sge, %add3A, %ge3A : i32
      %convert_element_type3A_4 = arith.extui %ge3A_3 : i1 to i32
      %mul3A_5 = arith.constant 12 : i32
      %mul3A_6 = arith.muli %mul3A_5, %convert_element_type3A_4 : i32
      %sub3A = arith.subi %add3A, %mul3A_6 : i32
      %eq3A = arith.constant 0 : i32
      %eq3A_7 = arith.cmpi eq, %sub3A, %eq3A : i32
      %convert_element_type3A_8 = arith.extui %eq3A_7 : i1 to i32
      %mul3A_9 = arith.constant 1 : i32
      %mul3A_10 = arith.muli %convert_element_type3A_4, %mul3A_9 : i32
      %add3A_11 = arith.constant 4 : i32
      %add3A_12 = arith.addi %add3A_11, %mul3A_10 : i32
      %mul3A_13 = arith.muli %convert_element_type3A_8, %add3A_12 : i32
      %add3A_14 = arith.constant 0 : i32
      %add3A_15 = arith.addi %add3A_14, %mul3A_13 : i32
      %convert_element_type3A_16 = arith.sitofp %convert_element_type3A_8 : i32 to f32
      %mul3A_17 = arith.constant 5.000000e-01 : f32
      %mul3A_18 = arith.mulf %convert_element_type3A_16, %mul3A_17 : f32
      %add3A_19 = arith.constant 0.000000e+00 : f32
      %add3A_20 = arith.addf %add3A_19, %mul3A_18 : f32
      %eq3A_21 = arith.constant 1 : i32
      %eq3A_22 = arith.cmpi eq, %sub3A, %eq3A_21 : i32
      %convert_element_type3A_23 = arith.extui %eq3A_22 : i1 to i32
      %mul3A_24 = arith.constant 7 : i32
      %mul3A_25 = arith.muli %convert_element_type3A_4, %mul3A_24 : i32
      %add3A_26 = arith.constant 1 : i32
      %add3A_27 = arith.addi %add3A_26, %mul3A_25 : i32
      %mul3A_28 = arith.muli %convert_element_type3A_23, %add3A_27 : i32
      %add3A_29 = arith.addi %add3A_15, %mul3A_28 : i32
      %convert_element_type3A_30 = arith.sitofp %convert_element_type3A_23 : i32 to f32
      %mul3A_31 = arith.constant 3.300000e-01 : f32
      %mul3A_32 = arith.mulf %convert_element_type3A_30, %mul3A_31 : f32
      %add3A_33 = arith.addf %add3A_20, %mul3A_32 : f32
      %eq3A_34 = arith.constant 2 : i32
      %eq3A_35 = arith.cmpi eq, %sub3A, %eq3A_34 : i32
      %convert_element_type3A_36 = arith.extui %eq3A_35 : i1 to i32
      %mul3A_37 = arith.constant 5 : i32
      %mul3A_38 = arith.muli %convert_element_type3A_4, %mul3A_37 : i32
      %add3A_39 = arith.constant 2 : i32
      %add3A_40 = arith.addi %add3A_39, %mul3A_38 : i32
      %mul3A_41 = arith.muli %convert_element_type3A_36, %add3A_40 : i32
      %add3A_42 = arith.addi %add3A_29, %mul3A_41 : i32
      %convert_element_type3A_43 = arith.sitofp %convert_element_type3A_36 : i32 to f32
      %mul3A_44 = arith.constant -5.000000e-01 : f32
      %mul3A_45 = arith.mulf %convert_element_type3A_43, %mul3A_44 : f32
      %add3A_46 = arith.addf %add3A_33, %mul3A_45 : f32
      %eq3A_47 = arith.constant 3 : i32
      %eq3A_48 = arith.cmpi eq, %sub3A, %eq3A_47 : i32
      %convert_element_type3A_49 = arith.extui %eq3A_48 : i1 to i32
      %mul3A_50 = arith.constant 5 : i32
      %mul3A_51 = arith.muli %convert_element_type3A_4, %mul3A_50 : i32
      %add3A_52 = arith.constant 24 : i32
      %add3A_53 = arith.addi %add3A_52, %mul3A_51 : i32
      %mul3A_54 = arith.muli %convert_element_type3A_49, %add3A_53 : i32
      %add3A_55 = arith.addi %add3A_42, %mul3A_54 : i32
      %convert_element_type3A_56 = arith.sitofp %convert_element_type3A_49 : i32 to f32
      %mul3A_57 = arith.constant 2.500000e-01 : f32
      %mul3A_58 = arith.mulf %convert_element_type3A_56, %mul3A_57 : f32
      %add3A_59 = arith.addf %add3A_46, %mul3A_58 : f32
      %eq3A_60 = arith.constant 4 : i32
      %eq3A_61 = arith.cmpi eq, %sub3A, %eq3A_60 : i32
      %convert_element_type3A_62 = arith.extui %eq3A_61 : i1 to i32
      %mul3A_63 = arith.constant 5 : i32
      %mul3A_64 = arith.muli %convert_element_type3A_4, %mul3A_63 : i32
      %add3A_65 = arith.constant 19 : i32
      %add3A_66 = arith.addi %add3A_65, %mul3A_64 : i32
      %mul3A_67 = arith.muli %convert_element_type3A_62, %add3A_66 : i32
      %add3A_68 = arith.addi %add3A_55, %mul3A_67 : i32
      %convert_element_type3A_69 = arith.sitofp %convert_element_type3A_62 : i32 to f32
      %mul3A_70 = arith.constant 0.000000e+00 : f32
      %mul3A_71 = arith.mulf %convert_element_type3A_69, %mul3A_70 : f32
      %add3A_72 = arith.addf %add3A_59, %mul3A_71 : f32
      %eq3A_73 = arith.constant 5 : i32
      %eq3A_74 = arith.cmpi eq, %sub3A, %eq3A_73 : i32
      %convert_element_type3A_75 = arith.extui %eq3A_74 : i1 to i32
      %mul3A_76 = arith.constant 0 : i32
      %mul3A_77 = arith.muli %convert_element_type3A_4, %mul3A_76 : i32
      %add3A_78 = arith.constant 16 : i32
      %add3A_79 = arith.addi %add3A_78, %mul3A_77 : i32
      %mul3A_80 = arith.muli %convert_element_type3A_75, %add3A_79 : i32
      %add3A_81 = arith.addi %add3A_68, %mul3A_80 : i32
      %convert_element_type3A_82 = arith.sitofp %convert_element_type3A_75 : i32 to f32
      %mul3A_83 = arith.constant 1.600000e-01 : f32
      %mul3A_84 = arith.mulf %convert_element_type3A_82, %mul3A_83 : f32
      %add3A_85 = arith.addf %add3A_72, %mul3A_84 : f32
      %eq3A_86 = arith.constant 6 : i32
      %eq3A_87 = arith.cmpi eq, %sub3A, %eq3A_86 : i32
      %convert_element_type3A_88 = arith.extui %eq3A_87 : i1 to i32
      %mul3A_89 = arith.constant 6 : i32
      %mul3A_90 = arith.muli %convert_element_type3A_4, %mul3A_89 : i32
      %add3A_91 = arith.constant 31 : i32
      %add3A_92 = arith.addi %add3A_91, %mul3A_90 : i32
      %mul3A_93 = arith.muli %convert_element_type3A_88, %add3A_92 : i32
      %add3A_94 = arith.addi %add3A_81, %mul3A_93 : i32
      %convert_element_type3A_95 = arith.sitofp %convert_element_type3A_88 : i32 to f32
      %mul3A_96 = arith.constant -1.600000e-01 : f32
      %mul3A_97 = arith.mulf %convert_element_type3A_95, %mul3A_96 : f32
      %add3A_98 = arith.addf %add3A_85, %mul3A_97 : f32
      %eq3A_99 = arith.constant 7 : i32
      %eq3A_100 = arith.cmpi eq, %sub3A, %eq3A_99 : i32
      %convert_element_type3A_101 = arith.extui %eq3A_100 : i1 to i32
      %mul3A_102 = arith.constant 6 : i32
      %mul3A_103 = arith.muli %convert_element_type3A_4, %mul3A_102 : i32
      %add3A_104 = arith.constant 31 : i32
      %add3A_105 = arith.addi %add3A_104, %mul3A_103 : i32
      %mul3A_106 = arith.muli %convert_element_type3A_101, %add3A_105 : i32
      %add3A_107 = arith.addi %add3A_94, %mul3A_106 : i32
      %convert_element_type3A_108 = arith.sitofp %convert_element_type3A_101 : i32 to f32
      %mul3A_109 = arith.constant 3.000000e-01 : f32
      %mul3A_110 = arith.mulf %convert_element_type3A_108, %mul3A_109 : f32
      %add3A_111 = arith.addf %add3A_98, %mul3A_110 : f32
      %eq3A_112 = arith.constant 8 : i32
      %eq3A_113 = arith.cmpi eq, %sub3A, %eq3A_112 : i32
      %convert_element_type3A_114 = arith.extui %eq3A_113 : i1 to i32
      %mul3A_115 = arith.constant 0 : i32
      %mul3A_116 = arith.muli %convert_element_type3A_4, %mul3A_115 : i32
      %add3A_117 = arith.constant 34 : i32
      %add3A_118 = arith.addi %add3A_117, %mul3A_116 : i32
      %mul3A_119 = arith.muli %convert_element_type3A_114, %add3A_118 : i32
      %add3A_120 = arith.addi %add3A_107, %mul3A_119 : i32
      %convert_element_type3A_121 = arith.sitofp %convert_element_type3A_114 : i32 to f32
      %mul3A_122 = arith.constant 0.000000e+00 : f32
      %mul3A_123 = arith.mulf %convert_element_type3A_121, %mul3A_122 : f32
      %add3A_124 = arith.addf %add3A_111, %mul3A_123 : f32
      %eq3A_125 = arith.constant 9 : i32
      %eq3A_126 = arith.cmpi eq, %sub3A, %eq3A_125 : i32
      %convert_element_type3A_127 = arith.extui %eq3A_126 : i1 to i32
      %mul3A_128 = arith.constant 0 : i32
      %mul3A_129 = arith.muli %convert_element_type3A_4, %mul3A_128 : i32
      %add3A_130 = arith.constant 34 : i32
      %add3A_131 = arith.addi %add3A_130, %mul3A_129 : i32
      %mul3A_132 = arith.muli %convert_element_type3A_127, %add3A_131 : i32
      %add3A_133 = arith.addi %add3A_120, %mul3A_132 : i32
      %convert_element_type3A_134 = arith.sitofp %convert_element_type3A_127 : i32 to f32
      %mul3A_135 = arith.constant -3.000000e-01 : f32
      %mul3A_136 = arith.mulf %convert_element_type3A_134, %mul3A_135 : f32
      %add3A_137 = arith.addf %add3A_124, %mul3A_136 : f32
      %eq3A_138 = arith.constant 10 : i32
      %eq3A_139 = arith.cmpi eq, %sub3A, %eq3A_138 : i32
      %convert_element_type3A_140 = arith.extui %eq3A_139 : i1 to i32
      %mul3A_141 = arith.constant 8 : i32
      %mul3A_142 = arith.muli %convert_element_type3A_4, %mul3A_141 : i32
      %add3A_143 = arith.constant 37 : i32
      %add3A_144 = arith.addi %add3A_143, %mul3A_142 : i32
      %mul3A_145 = arith.muli %convert_element_type3A_140, %add3A_144 : i32
      %add3A_146 = arith.addi %add3A_133, %mul3A_145 : i32
      %convert_element_type3A_147 = arith.sitofp %convert_element_type3A_140 : i32 to f32
      %mul3A_148 = arith.constant 5.000000e-01 : f32
      %mul3A_149 = arith.mulf %convert_element_type3A_147, %mul3A_148 : f32
      %add3A_150 = arith.addf %add3A_137, %mul3A_149 : f32
      %eq3A_151 = arith.constant 11 : i32
      %eq3A_152 = arith.cmpi eq, %sub3A, %eq3A_151 : i32
      %convert_element_type3A_153 = arith.extui %eq3A_152 : i1 to i32
      %mul3A_154 = arith.constant 4 : i32
      %mul3A_155 = arith.muli %convert_element_type3A_4, %mul3A_154 : i32
      %add3A_156 = arith.constant 43 : i32
      %add3A_157 = arith.addi %add3A_156, %mul3A_155 : i32
      %mul3A_158 = arith.muli %convert_element_type3A_153, %add3A_157 : i32
      %add3A_159 = arith.addi %add3A_146, %mul3A_158 : i32
      %convert_element_type3A_160 = arith.sitofp %convert_element_type3A_153 : i32 to f32
      %mul3A_161 = arith.constant -2.500000e-01 : f32
      %mul3A_162 = arith.mulf %convert_element_type3A_160, %mul3A_161 : f32
      %add3A_163 = arith.addf %add3A_150, %mul3A_162 : f32
      %broadcast_in_dim3A = vector.broadcast %add3A_159 : i32 to vector<16xi32>
      %broadcast_in_dim3A_164 = vector.broadcast %add3A_163 : f32 to vector<16xf32>
      tpu.wait_dma2 semaphore(%arg9 : memref<!tpu.dma_semaphore, #tpu.memory_space<semaphore_mem>>) src(%arg3 : memref<32x2x49xf32, #tpu.memory_space<hbm>>) dst(%arg6 : memref<32x2x49xf32, #tpu.memory_space<vmem>>)
      %iota3A = tpu.iota {dimensions = array<i32: 0>} : vector<16xi32>
      %broadcast_in_dim3A_165 = arith.constant 0 : i32
      %broadcast_in_dim3A_166 = vector.broadcast %broadcast_in_dim3A_165 : i32 to vector<16xi32>
      %broadcast_in_dim3A_167 = arith.constant 1 : i32
      %broadcast_in_dim3A_168 = vector.broadcast %broadcast_in_dim3A_167 : i32 to vector<16xi32>
      %add3A_169 = arith.constant 0 : i32
      %add3A_170 = vector.broadcast %add3A_169 : i32 to vector<16xi32>
      %add3A_171 = arith.addi %add3A_170, %iota3A : vector<16xi32>
      %broadcast_in_dim3A_172 = arith.constant 22 : i32
      %broadcast_in_dim3A_173 = vector.broadcast %broadcast_in_dim3A_172 : i32 to vector<16xi32>
      %gather3A = tpu.vector_load_idx %arg6[%add3A_171, %broadcast_in_dim3A_166, %broadcast_in_dim3A_173] : memref<32x2x49xf32, #tpu.memory_space<vmem>>[vector<16xi32>, vector<16xi32>, vector<16xi32>], vector<16xf32>,
      %broadcast_in_dim3A_174 = arith.constant 25 : i32
      %broadcast_in_dim3A_175 = vector.broadcast %broadcast_in_dim3A_174 : i32 to vector<16xi32>
      %gather3A_176 = tpu.vector_load_idx %arg6[%add3A_171, %broadcast_in_dim3A_166, %broadcast_in_dim3A_175] : memref<32x2x49xf32, #tpu.memory_space<vmem>>[vector<16xi32>, vector<16xi32>, vector<16xi32>], vector<16xf32>,
      %sub3A_177 = arith.subf %gather3A, %gather3A_176 : vector<16xf32>
      %abs3A = math.absf %sub3A_177 : vector<16xf32>
      %mul3A_178 = arith.mulf %abs3A, %broadcast_in_dim3A_164 : vector<16xf32>
      %gather3A_179 = tpu.vector_load_idx %arg6[%add3A_171, %broadcast_in_dim3A_166, %broadcast_in_dim3A] : memref<32x2x49xf32, #tpu.memory_space<vmem>>[vector<16xi32>, vector<16xi32>, vector<16xi32>], vector<16xf32>,
      %gather3A_180 = tpu.vector_load_idx %arg6[%add3A_171, %broadcast_in_dim3A_168, %broadcast_in_dim3A] : memref<32x2x49xf32, #tpu.memory_space<vmem>>[vector<16xi32>, vector<16xi32>, vector<16xi32>], vector<16xf32>,
      %add3A_181 = arith.addf %gather3A_180, %mul3A_178 : vector<16xf32>
      %add3A_182 = arith.constant 0x4B400000 : f32
      %add3A_183 = vector.broadcast %add3A_182 : f32 to vector<16xf32>
      %add3A_184 = arith.addf %gather3A_179, %add3A_183 : vector<16xf32>
      %sub3A_185 = arith.constant 0x4B400000 : f32
      %sub3A_186 = vector.broadcast %sub3A_185 : f32 to vector<16xf32>
      %sub3A_187 = arith.subf %add3A_184, %sub3A_186 : vector<16xf32>
      %mul3A_188 = arith.constant 2.500000e-01 : f32
      %mul3A_189 = vector.broadcast %mul3A_188 : f32 to vector<16xf32>
      %mul3A_190 = arith.mulf %sub3A_187, %mul3A_189 : vector<16xf32>
      %add3A_191 = arith.constant 0x4B400000 : f32
      %add3A_192 = vector.broadcast %add3A_191 : f32 to vector<16xf32>
      %add3A_193 = arith.addf %mul3A_190, %add3A_192 : vector<16xf32>
      %sub3A_194 = arith.constant 0x4B400000 : f32
      %sub3A_195 = vector.broadcast %sub3A_194 : f32 to vector<16xf32>
      %sub3A_196 = arith.subf %add3A_193, %sub3A_195 : vector<16xf32>
      %convert_element_type3A_197 = arith.fptosi %sub3A_196 : vector<16xf32> to vector<16xi32>
      %add3A_198 = arith.constant 0x4B400000 : f32
      %add3A_199 = vector.broadcast %add3A_198 : f32 to vector<16xf32>
      %add3A_200 = arith.addf %add3A_181, %add3A_199 : vector<16xf32>
      %sub3A_201 = arith.constant 0x4B400000 : f32
      %sub3A_202 = vector.broadcast %sub3A_201 : f32 to vector<16xf32>
      %sub3A_203 = arith.subf %add3A_200, %sub3A_202 : vector<16xf32>
      %mul3A_204 = arith.constant 2.500000e-01 : f32
      %mul3A_205 = vector.broadcast %mul3A_204 : f32 to vector<16xf32>
      %mul3A_206 = arith.mulf %sub3A_203, %mul3A_205 : vector<16xf32>
      %add3A_207 = arith.constant 0x4B400000 : f32
      %add3A_208 = vector.broadcast %add3A_207 : f32 to vector<16xf32>
      %add3A_209 = arith.addf %mul3A_206, %add3A_208 : vector<16xf32>
      %sub3A_210 = arith.constant 0x4B400000 : f32
      %sub3A_211 = vector.broadcast %sub3A_210 : f32 to vector<16xf32>
      %sub3A_212 = arith.subf %add3A_209, %sub3A_211 : vector<16xf32>
      %convert_element_type3A_213 = arith.fptosi %sub3A_212 : vector<16xf32> to vector<16xi32>
      %jit3A = arith.constant 0 : i32
      %jit3A_214 = arith.constant 55 : i32
      %max3A = vector.broadcast %jit3A : i32 to vector<16xi32>
      %max3A_215 = arith.maxsi %max3A, %convert_element_type3A_197 : vector<16xi32>
      %min3A = vector.broadcast %jit3A_214 : i32 to vector<16xi32>
      %min3A_216 = arith.minsi %min3A, %max3A_215 : vector<16xi32>
      %jit3A_217 = arith.constant 0 : i32
      %jit3A_218 = arith.constant 55 : i32
      %max3A_219 = vector.broadcast %jit3A_217 : i32 to vector<16xi32>
      %max3A_220 = arith.maxsi %max3A_219, %convert_element_type3A_213 : vector<16xi32>
      %min3A_221 = vector.broadcast %jit3A_218 : i32 to vector<16xi32>
      %min3A_222 = arith.minsi %min3A_221, %max3A_220 : vector<16xi32>
      %mul3A_223 = arith.constant 3136 : i32
      %mul3A_224 = vector.broadcast %mul3A_223 : i32 to vector<16xi32>
      %mul3A_225 = arith.muli %add3A_171, %mul3A_224 : vector<16xi32>
      %mul3A_226 = arith.constant 56 : i32
      %mul3A_227 = vector.broadcast %mul3A_226 : i32 to vector<16xi32>
      %mul3A_228 = arith.muli %min3A_216, %mul3A_227 : vector<16xi32>
      %add3A_229 = arith.addi %mul3A_225, %mul3A_228 : vector<16xi32>
      %add3A_230 = arith.addi %add3A_229, %min3A_222 : vector<16xi32>
      %swap3A = arith.constant 0 : index
      %swap3A_231 = tpu.vector_load %arg7[%swap3A] {strides = array<i32>} : memref<32xi32, #tpu.memory_space<vmem>>, vector<16xi32>,
      tpu.vector_store %arg7[%swap3A], %add3A_230 {strides = array<i32>} : memref<32xi32, #tpu.memory_space<vmem>>, vector<16xi32>,
      %add3A_232 = arith.constant 16 : i32
      %add3A_233 = vector.broadcast %add3A_232 : i32 to vector<16xi32>
      %add3A_234 = arith.addi %add3A_233, %iota3A : vector<16xi32>
      %broadcast_in_dim3A_235 = arith.constant 22 : i32
      %broadcast_in_dim3A_236 = vector.broadcast %broadcast_in_dim3A_235 : i32 to vector<16xi32>
      %gather3A_237 = tpu.vector_load_idx %arg6[%add3A_234, %broadcast_in_dim3A_166, %broadcast_in_dim3A_236] : memref<32x2x49xf32, #tpu.memory_space<vmem>>[vector<16xi32>, vector<16xi32>, vector<16xi32>], vector<16xf32>,
      %broadcast_in_dim3A_238 = arith.constant 25 : i32
      %broadcast_in_dim3A_239 = vector.broadcast %broadcast_in_dim3A_238 : i32 to vector<16xi32>
      %gather3A_240 = tpu.vector_load_idx %arg6[%add3A_234, %broadcast_in_dim3A_166, %broadcast_in_dim3A_239] : memref<32x2x49xf32, #tpu.memory_space<vmem>>[vector<16xi32>, vector<16xi32>, vector<16xi32>], vector<16xf32>,
      %sub3A_241 = arith.subf %gather3A_237, %gather3A_240 : vector<16xf32>
      %abs3A_242 = math.absf %sub3A_241 : vector<16xf32>
      %mul3A_243 = arith.mulf %abs3A_242, %broadcast_in_dim3A_164 : vector<16xf32>
      %gather3A_244 = tpu.vector_load_idx %arg6[%add3A_234, %broadcast_in_dim3A_166, %broadcast_in_dim3A] : memref<32x2x49xf32, #tpu.memory_space<vmem>>[vector<16xi32>, vector<16xi32>, vector<16xi32>], vector<16xf32>,
      %gather3A_245 = tpu.vector_load_idx %arg6[%add3A_234, %broadcast_in_dim3A_168, %broadcast_in_dim3A] : memref<32x2x49xf32, #tpu.memory_space<vmem>>[vector<16xi32>, vector<16xi32>, vector<16xi32>], vector<16xf32>,
      %add3A_246 = arith.addf %gather3A_245, %mul3A_243 : vector<16xf32>
      %add3A_247 = arith.constant 0x4B400000 : f32
      %add3A_248 = vector.broadcast %add3A_247 : f32 to vector<16xf32>
      %add3A_249 = arith.addf %gather3A_244, %add3A_248 : vector<16xf32>
      %sub3A_250 = arith.constant 0x4B400000 : f32
      %sub3A_251 = vector.broadcast %sub3A_250 : f32 to vector<16xf32>
      %sub3A_252 = arith.subf %add3A_249, %sub3A_251 : vector<16xf32>
      %mul3A_253 = arith.constant 2.500000e-01 : f32
      %mul3A_254 = vector.broadcast %mul3A_253 : f32 to vector<16xf32>
      %mul3A_255 = arith.mulf %sub3A_252, %mul3A_254 : vector<16xf32>
      %add3A_256 = arith.constant 0x4B400000 : f32
      %add3A_257 = vector.broadcast %add3A_256 : f32 to vector<16xf32>
      %add3A_258 = arith.addf %mul3A_255, %add3A_257 : vector<16xf32>
      %sub3A_259 = arith.constant 0x4B400000 : f32
      %sub3A_260 = vector.broadcast %sub3A_259 : f32 to vector<16xf32>
      %sub3A_261 = arith.subf %add3A_258, %sub3A_260 : vector<16xf32>
      %convert_element_type3A_262 = arith.fptosi %sub3A_261 : vector<16xf32> to vector<16xi32>
      %add3A_263 = arith.constant 0x4B400000 : f32
      %add3A_264 = vector.broadcast %add3A_263 : f32 to vector<16xf32>
      %add3A_265 = arith.addf %add3A_246, %add3A_264 : vector<16xf32>
      %sub3A_266 = arith.constant 0x4B400000 : f32
      %sub3A_267 = vector.broadcast %sub3A_266 : f32 to vector<16xf32>
      %sub3A_268 = arith.subf %add3A_265, %sub3A_267 : vector<16xf32>
      %mul3A_269 = arith.constant 2.500000e-01 : f32
      %mul3A_270 = vector.broadcast %mul3A_269 : f32 to vector<16xf32>
      %mul3A_271 = arith.mulf %sub3A_268, %mul3A_270 : vector<16xf32>
      %add3A_272 = arith.constant 0x4B400000 : f32
      %add3A_273 = vector.broadcast %add3A_272 : f32 to vector<16xf32>
      %add3A_274 = arith.addf %mul3A_271, %add3A_273 : vector<16xf32>
      %sub3A_275 = arith.constant 0x4B400000 : f32
      %sub3A_276 = vector.broadcast %sub3A_275 : f32 to vector<16xf32>
      %sub3A_277 = arith.subf %add3A_274, %sub3A_276 : vector<16xf32>
      %convert_element_type3A_278 = arith.fptosi %sub3A_277 : vector<16xf32> to vector<16xi32>
      %jit3A_279 = arith.constant 0 : i32
      %jit3A_280 = arith.constant 55 : i32
      %max3A_281 = vector.broadcast %jit3A_279 : i32 to vector<16xi32>
      %max3A_282 = arith.maxsi %max3A_281, %convert_element_type3A_262 : vector<16xi32>
      %min3A_283 = vector.broadcast %jit3A_280 : i32 to vector<16xi32>
      %min3A_284 = arith.minsi %min3A_283, %max3A_282 : vector<16xi32>
      %jit3A_285 = arith.constant 0 : i32
      %jit3A_286 = arith.constant 55 : i32
      %max3A_287 = vector.broadcast %jit3A_285 : i32 to vector<16xi32>
      %max3A_288 = arith.maxsi %max3A_287, %convert_element_type3A_278 : vector<16xi32>
      %min3A_289 = vector.broadcast %jit3A_286 : i32 to vector<16xi32>
      %min3A_290 = arith.minsi %min3A_289, %max3A_288 : vector<16xi32>
      %mul3A_291 = arith.constant 3136 : i32
      %mul3A_292 = vector.broadcast %mul3A_291 : i32 to vector<16xi32>
      %mul3A_293 = arith.muli %add3A_234, %mul3A_292 : vector<16xi32>
      %mul3A_294 = arith.constant 56 : i32
      %mul3A_295 = vector.broadcast %mul3A_294 : i32 to vector<16xi32>
      %mul3A_296 = arith.muli %min3A_284, %mul3A_295 : vector<16xi32>
      %add3A_297 = arith.addi %mul3A_293, %mul3A_296 : vector<16xi32>
      %add3A_298 = arith.addi %add3A_297, %min3A_290 : vector<16xi32>
      %swap3A_299 = arith.constant 16 : index
      %swap3A_300 = tpu.vector_load %arg7[%swap3A_299] {strides = array<i32>} : memref<32xi32, #tpu.memory_space<vmem>>, vector<16xi32>,
      tpu.vector_store %arg7[%swap3A_299], %add3A_298 {strides = array<i32>} : memref<32xi32, #tpu.memory_space<vmem>>, vector<16xi32>,
      %dma_start3A = arith.constant 0 : i32
      %dma_start3A_301 = arith.constant 0 : i32
      %dma_start3A_302 = tpu.memref_slice %arg2[%dma_start3A, %dma_start3A_301] : memref<100352x256xf32, #tpu.memory_space<hbm>> -> memref<100352x256xf32, #tpu.memory_space<hbm>>
      tpu.enqueue_indirect_dma source(%dma_start3A_302 : memref<100352x256xf32, #tpu.memory_space<hbm>>) target(%arg8 : memref<32x256xf32, #tpu.memory_space<vmem>>) offsets(%arg7 : memref<32xi32, #tpu.memory_space<vmem>>) semaphore(%arg10 : memref<!tpu.dma_semaphore, #tpu.memory_space<semaphore_mem>>)
      %dma_wait3A = arith.constant 0 : i32
      %dma_wait3A_303 = arith.constant 0 : i32
      %dma_wait3A_304 = tpu.memref_slice %arg2[%dma_wait3A, %dma_wait3A_303] : memref<100352x256xf32, #tpu.memory_space<hbm>> -> memref<100352x256xf32, #tpu.memory_space<hbm>>
      tpu.wait_indirect_dma semaphore(%arg10 : memref<!tpu.dma_semaphore, #tpu.memory_space<semaphore_mem>>) src(%dma_wait3A_304 : memref<100352x256xf32, #tpu.memory_space<hbm>>) dst(%arg8 : memref<32x256xf32, #tpu.memory_space<vmem>>)
      %eq3A_305 = arith.constant 0 : i32
      %eq3A_306 = arith.cmpi eq, %convert_element_type3A_4, %eq3A_305 : i32
      %convert_element_type3A_307 = arith.extui %eq3A_306 : i1 to i32
      %cond3A_308 = arith.constant 0 : i32
      %cond3A_309 = arith.cmpi ne, %convert_element_type3A_307, %cond3A_308 : i32
      scf.if %cond3A_309 {
        "tpu.region"() ({
          %run_scoped3A = tpu.sem_alloc : memref<!tpu.dma_semaphore, #tpu.memory_space<semaphore_mem>>
          %dma_start3A_315 = arith.constant 0 : i32
          %dma_start3A_316 = arith.constant 0 : i32
          %dma_start3A_317 = tpu.memref_slice %arg4[%sub3A, %dma_start3A_315, %dma_start3A_316] : memref<12x32x256xf32, #tpu.memory_space<hbm>> -> memref<1x32x256xf32, #tpu.memory_space<hbm>>
          %dma_start3A_318 = tpu.memref_squeeze %dma_start3A_317 : memref<1x32x256xf32, #tpu.memory_space<hbm>> -> memref<32x256xf32, #tpu.memory_space<hbm>>
          %dma_start3A_319 = arith.constant 0 : i32
          %dma_start3A_320 = arith.constant 0 : i32
          %dma_start3A_321 = tpu.memref_slice %arg4[%sub3A, %dma_start3A_319, %dma_start3A_320] : memref<12x32x256xf32, #tpu.memory_space<hbm>> -> memref<1x32x256xf32, #tpu.memory_space<hbm>>
          %dma_start3A_322 = tpu.memref_squeeze %dma_start3A_321 : memref<1x32x256xf32, #tpu.memory_space<hbm>> -> memref<32x256xf32, #tpu.memory_space<hbm>>
          tpu.enqueue_dma source(%arg8 : memref<32x256xf32, #tpu.memory_space<vmem>>) target(%dma_start3A_322 : memref<32x256xf32, #tpu.memory_space<hbm>>) target_semaphore(%run_scoped3A : memref<!tpu.dma_semaphore, #tpu.memory_space<semaphore_mem>>)
          %dma_wait3A_323 = arith.constant 0 : i32
          %dma_wait3A_324 = arith.constant 0 : i32
          %dma_wait3A_325 = tpu.memref_slice %arg4[%sub3A, %dma_wait3A_323, %dma_wait3A_324] : memref<12x32x256xf32, #tpu.memory_space<hbm>> -> memref<1x32x256xf32, #tpu.memory_space<hbm>>
          %dma_wait3A_326 = tpu.memref_squeeze %dma_wait3A_325 : memref<1x32x256xf32, #tpu.memory_space<hbm>> -> memref<32x256xf32, #tpu.memory_space<hbm>>
          %dma_wait3A_327 = arith.constant 0 : i32
          %dma_wait3A_328 = arith.constant 0 : i32
          %dma_wait3A_329 = tpu.memref_slice %arg4[%sub3A, %dma_wait3A_327, %dma_wait3A_328] : memref<12x32x256xf32, #tpu.memory_space<hbm>> -> memref<1x32x256xf32, #tpu.memory_space<hbm>>
          %dma_wait3A_330 = tpu.memref_squeeze %dma_wait3A_329 : memref<1x32x256xf32, #tpu.memory_space<hbm>> -> memref<32x256xf32, #tpu.memory_space<hbm>>
          tpu.wait_dma2 semaphore(%run_scoped3A : memref<!tpu.dma_semaphore, #tpu.memory_space<semaphore_mem>>) src(%arg8 : memref<32x256xf32, #tpu.memory_space<vmem>>) dst(%dma_wait3A_330 : memref<32x256xf32, #tpu.memory_space<hbm>>)
          tpu.yield
        }) : () -> ()
      } else {
      }
      %eq3A_310 = arith.constant 1 : i32
      %eq3A_311 = arith.cmpi eq, %convert_element_type3A_4, %eq3A_310 : i32
      %convert_element_type3A_312 = arith.extui %eq3A_311 : i1 to i32
      %cond3A_313 = arith.constant 0 : i32
      %cond3A_314 = arith.cmpi ne, %convert_element_type3A_312, %cond3A_313 : i32
      scf.if %cond3A_314 {
        "tpu.region"() ({
          %run_scoped3A = tpu.sem_alloc : memref<!tpu.dma_semaphore, #tpu.memory_space<semaphore_mem>>
          %dma_start3A_315 = arith.constant 0 : i32
          %dma_start3A_316 = arith.constant 0 : i32
          %dma_start3A_317 = tpu.memref_slice %arg5[%sub3A, %dma_start3A_315, %dma_start3A_316] : memref<12x32x256xf32, #tpu.memory_space<hbm>> -> memref<1x32x256xf32, #tpu.memory_space<hbm>>
          %dma_start3A_318 = tpu.memref_squeeze %dma_start3A_317 : memref<1x32x256xf32, #tpu.memory_space<hbm>> -> memref<32x256xf32, #tpu.memory_space<hbm>>
          %dma_start3A_319 = arith.constant 0 : i32
          %dma_start3A_320 = arith.constant 0 : i32
          %dma_start3A_321 = tpu.memref_slice %arg5[%sub3A, %dma_start3A_319, %dma_start3A_320] : memref<12x32x256xf32, #tpu.memory_space<hbm>> -> memref<1x32x256xf32, #tpu.memory_space<hbm>>
          %dma_start3A_322 = tpu.memref_squeeze %dma_start3A_321 : memref<1x32x256xf32, #tpu.memory_space<hbm>> -> memref<32x256xf32, #tpu.memory_space<hbm>>
          tpu.enqueue_dma source(%arg8 : memref<32x256xf32, #tpu.memory_space<vmem>>) target(%dma_start3A_322 : memref<32x256xf32, #tpu.memory_space<hbm>>) target_semaphore(%run_scoped3A : memref<!tpu.dma_semaphore, #tpu.memory_space<semaphore_mem>>)
          %dma_wait3A_323 = arith.constant 0 : i32
          %dma_wait3A_324 = arith.constant 0 : i32
          %dma_wait3A_325 = tpu.memref_slice %arg5[%sub3A, %dma_wait3A_323, %dma_wait3A_324] : memref<12x32x256xf32, #tpu.memory_space<hbm>> -> memref<1x32x256xf32, #tpu.memory_space<hbm>>
          %dma_wait3A_326 = tpu.memref_squeeze %dma_wait3A_325 : memref<1x32x256xf32, #tpu.memory_space<hbm>> -> memref<32x256xf32, #tpu.memory_space<hbm>>
          %dma_wait3A_327 = arith.constant 0 : i32
          %dma_wait3A_328 = arith.constant 0 : i32
          %dma_wait3A_329 = tpu.memref_slice %arg5[%sub3A, %dma_wait3A_327, %dma_wait3A_328] : memref<12x32x256xf32, #tpu.memory_space<hbm>> -> memref<1x32x256xf32, #tpu.memory_space<hbm>>
          %dma_wait3A_330 = tpu.memref_squeeze %dma_wait3A_329 : memref<1x32x256xf32, #tpu.memory_space<hbm>> -> memref<32x256xf32, #tpu.memory_space<hbm>>
          tpu.wait_dma2 semaphore(%run_scoped3A : memref<!tpu.dma_semaphore, #tpu.memory_space<semaphore_mem>>) src(%arg8 : memref<32x256xf32, #tpu.memory_space<vmem>>) dst(%dma_wait3A_330 : memref<32x256xf32, #tpu.memory_space<hbm>>)
          tpu.yield
        }) : () -> ()
      } else {
      }
    } else {
    }
    return
  }
}

</mosaic_0001>

<sc_bundles>
// kernel: kernel.3.cloned.1.call-start
scs
__scs_entry_jumppad:
0x0: {  	(pc) =	sbr.rel $0x88, $3  }
0x1: {  	(tag) =	ssettag $0x0;
	lr =	simm.s32 $0x1  }
0x2: {  	[smem:$0x3F9F] =	sst lr;
	_ =	strace $0xD0000000  }
0x3: {  	_ = 	snop  }
0x4: {  	_ = 	snop  }
0x5: {  	_ = 	snop  }
0x6: {  	_ = 	snop  }
0x7: {  	_ = 	snop  }
__scs_overlays_trampoline_lowered:
0x8: {  	[smem:$0x3FAE] =	sst s0  }
0x9: {  	[smem:$0x3FAF] =	sst s1  }
0xa: {  	[smem:$0x3FB0] =	sst s2  }
0xb: {  	[smem:$0x3FB1] =	sst s3  }
0xc: {  	[smem:$0x3FB2] =	sst s4  }
0xd: {  	[smem:$0x3FB3] =	sst s5  }
0xe: {  	[smem:$0x3FB4] =	sst s6  }
0xf: {  	[smem:$0x3FB5] =	sst s7  }
0x10: {  	[smem:$0x3FB6] =	sst s8  }
0x11: {  	[smem:$0x3FB7] =	sst s9;
	s0 =	simm.s32 @!p0 $0x0  }
0x12: {  	s1 =	sld [smem:$0x3F9D];
	s0 =	simm.s32 @p0 $0x1  }
0x13: {  	[smem:$0x3FB8] =	sst s0;
	s0 =	simm.s32 @!p1 $0x0  }
0x14: {  	s2 =	sld [smem:$0x3F9C];
	s0 =	simm.s32 @p1 $0x1  }
0x15: {  	[smem:$0x3FB9] =	sst s0;
	s0 =	simm.s32 @!p2 $0x0  }
0x16: {  	s3 =	sld [smem:$0x3FDB];
	s0 =	simm.s32 @p2 $0x1  }
0x17: {  	s4 =	simm.s32 $0x1BF5;
	[smem:$0x3FBB] =	sst s0  }
0x18: {  	s0 =	sld [smem:$0x3F9E];
	_ =	swait.ge [sflag:s4], $0x0  }
0x19: {  	s7 =	sld [smem:$0x3F9F]  }
0x1a: {  	s8 =	sadd.s32 $0xFFFFE003, lr  }
0x1b: {  	s9 =	sadd.s32 $0xFFFFFEF7, lr;
	s5 =	simm.s32 $0xFFFFFFFF;
	p2 =	slt.u32 s8, $0xFFFFF086  }
0x1c: {  	p1 =	slt.u32 s9, $0xF7A;
	s5 =	simm.s32 @!p2 $0x0  }
0x1d: {  	s5 =	simm.s32 @p1 $0x1;
	p0 =	seq.s32 s7, s2  }
0x1e: {  	s7 =	smul.u32 @!p0 $0xF7A, s2;
	p2 =	seq.s32 @!p0 s5, $0x0  }
0x1f: {  	s9 =	smul.u32 $0xF7A, s1;
	s8 =	simm.s32 @!p0 $0x1BF5;
	p2 =	por !p2, p0  }
0x20: {  	[sflag:s8] =	ssyncset.s32 @!p0 $0xFFFFF086;
	s6 =	sadd.s32 @!p0 s3, s7;
	s7 =	simm.s32 @!p0 $0x108  }
0x21: {  	s3 =	sadd.s32 s3, s9;
	s6 =	sadd.s32 @!p0 $0x88, s6;
	s7 =	simm.s32 @p2 $0x1082  }
0x22: {  	[simem:s7], [sflag:s8] =	dma.local @!p0 [hbm:s6], $0xF7A  }
0x23: {  	s9 =	sor.u32 $0xD0000000, s2;
	s6 =	simm.s32 $0x108;
	_ =	swait.ge @!p0 [sflag:s8], $0x0  }
0x24: {  	s3 =	sadd.s32 $0x88, s3;
	s6 =	simm.s32 @!p1 $0x1082;
	[sflag:s4] =	ssyncset.s32 $0xFFFFF086  }
0x25: {  	[simem:s6], [sflag:s4] =	dma.local [hbm:s3], $0xF7A  }
0x26: {  	[smem:$0x3F9F] =	sst s1;
	(tag) =	ssettag s2;
	_ =	strace s9  }
0x27: {  	s1 =	sld [smem:$0x3FAF]  }
0x28: {  	s2 =	sld [smem:$0x3FB0]  }
0x29: {  	s4 =	sld [smem:$0x3FB2]  }
0x2a: {  	p0 =	seq.s32 s5, $0x0;
	s5 =	sld [smem:$0x3FB3]  }
0x2b: {  	s6 =	sld [smem:$0x3FB4]  }
0x2c: {  	s7 =	sld [smem:$0x3FB5]  }
0x2d: {  	s3 =	simm.s32 $0x108;
	s8 =	sld [smem:$0x3FB6]  }
0x2e: {  	s3 =	simm.s32 @!p0 $0x1082;
	s9 =	sld [smem:$0x3FB7]  }
0x2f: {  	lr =	sadd.s32 s0, s3;
	s0 =	sld [smem:$0x3FAE]  }
0x30: {  	s3 =	sld [smem:$0x3FB1]  }
0x31: {  	[smem:$0x3FBA] =	sst s10  }
0x32: {  	s10 =	sld [smem:$0x3FB8];
	_ =	sdelay $0x3  }
0x33: {  	p0 =	seq.s32 s10, $0x1;
	s10 =	sld [smem:$0x3FBA];
	_ =	sdelay $0x3  }
0x34: {  	[smem:$0x3FBA] =	sst s10  }
0x35: {  	s10 =	sld [smem:$0x3FB9];
	_ =	sdelay $0x3  }
0x36: {  	p1 =	seq.s32 s10, $0x1;
	s10 =	sld [smem:$0x3FBA];
	_ =	sdelay $0x3  }
0x37: {  	[smem:$0x3FBA] =	sst s10  }
0x38: {  	s10 =	sld [smem:$0x3FBB]  }
0x39: {  	_ = 	snop;
	(pc) =	sbr.ind lr, $3  }
0x3a: {  	_ = 	snop  }
0x3b: {  	_ = 	snop  }
0x3c: {  	p2 =	seq.s32 s10, $0x1;
	s10 =	sld [smem:$0x3FBA]  }
0x3d: {  	_ =	shalt  }
0x3e: {  	_ =	shalt  }
0x3f: {  	_ =	shalt  }
0x40: {  	_ =	shalt  }
0x41: {  	_ =	shalt  }
0x42: {  	_ =	shalt  }
0x43: {  	_ =	shalt  }
0x44: {  	_ =	shalt  }
0x45: {  	_ =	shalt  }
0x46: {  	_ =	shalt  }
0x47: {  	_ =	shalt  }
0x48: {  	_ =	shalt  }
0x49: {  	_ =	shalt  }
0x4a: {  	_ =	shalt  }
0x4b: {  	_ =	shalt  }
0x4c: {  	_ =	shalt  }
0x4d: {  	_ =	shalt  }
0x4e: {  	_ =	shalt  }
0x4f: {  	_ =	shalt  }
0x50: {  	_ =	shalt  }
0x51: {  	_ =	shalt  }
0x52: {  	_ =	shalt  }
0x53: {  	_ =	shalt  }
0x54: {  	_ =	shalt  }
0x55: {  	_ =	shalt  }
0x56: {  	_ =	shalt  }
0x57: {  	_ =	shalt  }
0x58: {  	_ =	shalt  }
0x59: {  	_ =	shalt  }
0x5a: {  	_ =	shalt  }
0x5b: {  	_ =	shalt  }
0x5c: {  	_ =	shalt  }
0x5d: {  	_ =	shalt  }
0x5e: {  	_ =	shalt  }
0x5f: {  	_ =	shalt  }
0x60: {  	_ =	shalt  }
0x61: {  	_ =	shalt  }
0x62: {  	_ =	shalt  }
0x63: {  	_ =	shalt  }
0x64: {  	_ =	shalt  }
0x65: {  	_ =	shalt  }
0x66: {  	_ =	shalt  }
0x67: {  	_ =	shalt  }
0x68: {  	_ =	shalt  }
0x69: {  	_ =	shalt  }
0x6a: {  	_ =	shalt  }
0x6b: {  	_ =	shalt  }
0x6c: {  	_ =	shalt  }
0x6d: {  	_ =	shalt  }
0x6e: {  	_ =	shalt  }
0x6f: {  	_ =	shalt  }
0x70: {  	_ =	shalt  }
0x71: {  	_ =	shalt  }
0x72: {  	_ =	shalt  }
0x73: {  	_ =	shalt  }
0x74: {  	_ =	shalt  }
0x75: {  	_ =	shalt  }
0x76: {  	_ =	shalt  }
0x77: {  	_ =	shalt  }
0x78: {  	_ =	shalt  }
0x79: {  	_ =	shalt  }
0x7a: {  	_ =	shalt  }
0x7b: {  	_ =	shalt  }
0x7c: {  	_ =	shalt  }
0x7d: {  	_ =	shalt  }
0x7e: {  	_ =	shalt  }
0x7f: {  	_ =	shalt  }
0x80: {  	_ =	shalt  }
0x81: {  	_ =	shalt  }
0x82: {  	_ =	shalt  }
0x83: {  	_ =	shalt  }
0x84: {  	_ =	shalt  }
0x85: {  	_ =	shalt  }
0x86: {  	_ =	shalt  }
0x87: {  	_ =	shalt  }
.Lfunc_end0:
.L_simem_size_0:
called_computation_lowered:
.L_overlay_start_0:
0x88: {  	s2 =	sld [smem:$0x3FD9]  }
0x89: {  	s3 =	sld [smem:$0x3FFE];
	_ =	sdelay $0x1  }
0x8a: {  	s1 =	srdreg.scid  }
0x8b: {  	s0 =	sand.u32 $0x1, s1  }
0x8c: {  	s15 =	sshll.u32 s0, $0xA;
	s2 =	sadd.s32 s3, s2  }
0x8d: {  	s2 =	sadd.s32 s2, s15  }
0x8e: {  	[smem:$0x3FC6] =	sst s2  }
0x8f: {  	_ = 	snop  }
0x90: {  	s2 =	sld [smem:$0x3FD0];
	_ =	sdelay $0x1  }
0x91: {  	s16 =	sld [smem:$0x3FC9]  }
0x92: {  	s5 =	simm.s32 $0xA;
	s6 =	simm.s32 $0x10;
	s4 =	sld [smem:$0x3FC8]  }
0x93: {  	[smem:s6], [sflag:s5] =	dma.local [hbm:s2], $0x1  }
0x94: {  	_ =	swait.eq [sflag:s5], $0x1  }
0x95: {  	[sflag:s5] =	ssyncset.done $0x0  }
0x96: {  	s17 =	sld [smem:$0x10];
	[sflag:s5] =	ssyncadd.s32 $0xFFFFFFFF  }
0x97: {  	s18 =	sld [smem:$0x11];
	(tm) =	ssettm $0x1  }
0x98: {  	s19 =	sld [smem:$0x3FFB];
	_ =	sdelay $0x3  }
0x99: {  	_ =	strace s19  }
0x9a: {  	s6 =	sld [smem:$0x3FFC];
	_ =	sdelay $0x3  }
0x9b: {  	_ =	strace s6  }
0x9c: {  	s6 =	sld [smem:$0x3FFD];
	_ =	sdelay $0x3  }
0x9d: {  	_ =	strace s6  }
0x9e: {  	_ =	strace $0x8FFFFFFF  }
0x9f: {  	s20 =	sld [smem:$0x3FDB];
	_ =	sdelay $0x1  }
0xa0: {  	s7 =	simm.s32 $_scs_section_size  }
0xa1: {  	s8 =	simm.s32 $_size__tile_overlayer_lowered;
	s9 =	simm.s32 $_tile_overlayer_lowered  }
0xa2: {  	s23 =	simm.s32 $0x1BFF;
	s22 =	sshll.u32 s9, $0x1;
	s6 =	sadd.s32 s7, s20  }
0xa3: {  	s10 =	simm.s32 $0x0;
	s21 =	sshll.u32 s8, $0x1;
	s8 =	sadd.s32 s22, s6  }
0xa4: {  	[timem:s10], [sflag:s23] =	dma.local [hbm:s8], s21  }
0xa5: {  	_ =	swait.ge [sflag:s23], s21  }
0xa6: {  	s7 =	ssub.s32 $0x0, s21;
	[sflag:s23] =	ssyncset.done $0x0  }
0xa7: {  	[sflag:s23] =	ssyncadd.s32 s7;
	_ =	sdelay $0x1  }
0xa8: {  	s24 =	simm.s32 $0x1B8B  }
0xa9: {  	_ =	swait.ge [sflag:s24], $0x1  }
0xaa: {  	[sflag:s24] =	ssyncset.done $0x0  }
0xab: {  	s25 =	simm.s32 $0x1B8E;
	[sflag:s24] =	ssyncadd.s32 $0xFFFFFFFF  }
0xac: {  	s26 =	simm.s32 $execute0_lowered;
	[smem:$0x3FD2] =	sst s25  }
0xad: {  	s7 =	sshll.u32 s26, $0x1;
	_ =	strace $0x80000046;
	[dreg:$0x1] =	wrdreg $0xFFFFFFFF  }
0xae: {  	s28 =	simm.s32 $_size_execute0_lowered;
	s6 =	sadd.s32 s6, s7;
	[dreg:$0x0] =	wrdreg $0x0  }
0xaf: {  	s7 =	sshll.u32 s28, $0x1;
	[dreg:$0x2] =	wrdreg s6  }
0xb0: {  	[dreg:$0x3] =	wrdreg s7  }
0xb1: {  	[dreg:$0x4] =	wrdreg $0xC0  }
0xb2: {  	_ =	task [dreg:s10], $0x5FFFF  }
0xb3: {  	[dreg:$0x1] =	wrdreg $0xFFFFFFFF  }
0xb4: {  	[dreg:$0x0] =	wrdreg $0x60  }
0xb5: {  	[dreg:$0x2] =	wrdreg s16  }
0xb6: {  	[dreg:$0x3] =	wrdreg s4  }
0xb7: {  	[dreg:$0x4] =	wrdreg s17  }
0xb8: {  	[dreg:$0x5] =	wrdreg s18  }
0xb9: {  	[dreg:$0x6] =	wrdreg $0x9  }
0xba: {  	_ =	task.clear_ibuf [dreg:s10], $0x7FFFF;
	_ =	strace $0x90000046  }
0xbb: {  	s29 =	simm.s32 $0x9;
	_ =	strace $0x80000048  }
0xbc: {  	_ =	swait.ge [sflag:s29], $0x1  }
0xbd: {  	[sflag:s29] =	ssyncadd.s32 $0xFFFFFFFF  }
0xbe: {  	_ =	strace $0x90000048  }
0xbf: {  	_ =	sfence  }
0xc0: {  	s30 =	sld [smem:$0x0];
	_ =	sdelay $0x2  }
0xc1: {  	s31 =	sshll.u32 s1, $0xD;
	s1 =	sshrl.u32 s1, $0x2  }
0xc2: {  	s3 =	sand.u32 $0x4000, s31;
	s1 =	sadd.s32 s1, s30  }
0xc3: {  	s0 =	sor.u32 s3, s0;
	s1 =	sshll.u32 s1, $0x11  }
0xc4: {  	s0 =	sor.u32 s1, s0  }
0xc5: {  	s0 =	sadd.s32 $0x8F2B, s0  }
0xc6: {  	[sflag:s0] =	ssyncadd.remote.s32 $0x1  }
0xc7: {  	_ =	sfence.sel $0xFFFF  }
0xc8: {  	[dreg:$0x0] =	wrdreg $0xFFFFFFFF;
	(pc) =	sbr.abs _section_cstart, $3  }
0xc9: {  	[dreg:$0x1] =	wrdreg $0xFFFFFFFF  }
0xca: {  	_ =	task.clear_ibuf [dreg:s10], $0x2FFFF;
	_ =	strace $0x9FFFFFFF  }
0xcb: {  	(tm) =	ssettm $0x7FFFFFFF  }
tec
execute0_lowered:
.L_overlay_start_1:
0x0: {  	(tag) =	ssettag $0x1  }
0x1: {  	s1 =	stileid.u32  }
0x2: {  	s2 =	rddreg [dreg:$0x0];
	p0 =	sgt.u32 s1, $0xB  }
.Ltmp0:
0x3: {  	s3 =	rddreg [dreg:$0x1];
	(pc) =	sbr.rel @p0 .LBB2_4-.Ltmp0, $4  }
0x4: {  	s9 =	rddreg [dreg:$0x2]  }
0x5: {  	s8 =	rddreg [dreg:$0x3];
	s4 =	simm.s32 $0x0  }
0x6: {  	[smem:$0x7FF] =	sst s4  }
0x7: {  	s0 =	rddreg [dreg:$0x4];
	_ =	strace $0x80000047  }
0x8: {  	s5 =	srdreg.scid  }
0x9: {  	s28 =	sshll.u32 s1, $0x1;
	p0 =	slt.u32 s1, $0x6;
	s6 =	simm.s32 $0x0  }
0xa: {  	s7 =	simm.f32 $5.000000000e-01;
	s12 =	simm.s32 $0x1;
	s13 =	simm.s32 $0x0  }
0xb: {  	[tilespmem:s4], [sflag:$0x1] =	stream.linear.gather [hbm4b:s3+s4], $0x2000, $0x38;
	[tilespmem:$0x4080] =	vst v63  }
0xc: {  	s14 =	simm.f32 $3.300000130e-01;
	s11 =	sand.u32 $0x1, s5;
	s6 =	simm.s32 @!p0 $0xFFFFFFF4  }
0xd: {  	s12 =	simm.s32 @!p0 $0x8;
	s13 =	simm.s32 @!p0 $0x5;
	s5 =	sor.u32 s11, s28  }
0xe: {  	s15 =	sor.u32 $0x2, s13;
	s10 =	sadd.s32 s6, s5;
	s6 =	simm.s32 $0x4  }
0xf: {  	s5 =	simm.s32 $0x1;
	p1 =	seq.s32 s10, $0x0;
	s6 =	simm.s32 @!p0 $0x5  }
0x10: {  	p2 =	seq.s32 s10, $0x2;
	p3 =	seq.s32 s10, $0x9;
	p4 =	seq.s32 s10, $0xB  }
0x11: {  	s6 =	simm.s32 @!p1 $0x0;
	s7 =	simm.s32 @!p1 $0x0;
	p1 =	seq.s32 s10, $0x1  }
0x12: {  	_ =	swait.ge [sflag:s5], $0x2000;
	s15 =	simm.s32 @!p2 $0x0;
	s12 =	simm.s32 @!p1 $0x0  }
0x13: {  	s14 =	simm.s32 @!p1 $0x0;
	p1 =	seq.s32 s10, $0x3;
	s6 =	sadd.s32 s12, s6  }
0x14: {  	s7 =	sadd.f32 s14, s7;
	s12 =	simm.f32 $5.000000000e-01;
	s14 =	sor.u32 $0x18, s13  }
0x15: {  	s13 =	sadd.s32 $0x13, s13;
	s6 =	sadd.s32 s15, s6;
	s12 =	simm.s32 @!p2 $0x0  }
0x16: {  	s14 =	simm.s32 @!p1 $0x0;
	s7 =	ssub.f32 s7, s12;
	s12 =	simm.f32 $2.500000000e-01  }
0x17: {  	s6 =	sadd.s32 s14, s6;
	s14 =	simm.s32 $0x1F;
	s12 =	simm.s32 @!p1 $0x0  }
0x18: {  	p1 =	seq.s32 s10, $0x4;
	s14 =	simm.s32 @!p0 $0x25;
	s7 =	sadd.f32 s7, s12  }
0x19: {  	s13 =	simm.s32 @!p1 $0x0;
	p1 =	seq.s32 s10, $0x5;
	s12 =	simm.s32 $0x10  }
0x1a: {  	s6 =	sadd.s32 s13, s6;
	s12 =	simm.s32 @!p1 $0x0;
	s13 =	simm.f32 $1.599999960e-01  }
0x1b: {  	s6 =	sadd.s32 s12, s6;
	s13 =	simm.s32 @!p1 $0x0;
	s12 =	simm.f32 $1.599999960e-01  }
0x1c: {  	p1 =	seq.s32 s10, $0x6;
	s7 =	sadd.f32 s7, s13;
	s13 =	smov.u32 s14  }
0x1d: {  	s12 =	simm.s32 @!p1 $0x0;
	s13 =	simm.s32 @!p1 $0x0;
	p1 =	seq.s32 s10, $0x7  }
0x1e: {  	v12 =	vlaneseq.u32;
	p2 =	seq.s32 s10, $0x8;
	s6 =	sadd.s32 s13, s6;
	s14 =	simm.s32 @!p1 $0x0  }
0x1f: {  	v8 =	vmul.u32 $0x100, v12;
	s7 =	ssub.f32 s7, s12;
	s12 =	simm.s32 $0x22;
	s6 =	sadd.s32 s14, s6  }
0x20: {  	s14 =	simm.s32 $0x22;
	s12 =	simm.s32 @!p2 $0x0;
	p2 =	seq.s32 s10, $0xA  }
0x21: {  	v0 =	vor.u32 $0x16, v8;
	s6 =	sadd.s32 s12, s6;
	s12 =	simm.s32 $0x25;
	s14 =	simm.s32 @!p3 $0x0  }
0x22: {  	v1 =	vor.u32 $0x19, v8;
	s12 =	simm.s32 @!p0 $0x2D;
	s6 =	sadd.s32 s14, s6;
	s14 =	simm.s32 $0x2B  }
0x23: {  	[sflag:s5] =	ssyncset.done $0x0;
	s12 =	simm.s32 @!p2 $0x0;
	s14 =	simm.s32 @!p0 $0x2F  }
0x24: {  	s13 =	simm.f32 $3.000000120e-01;
	s6 =	sadd.s32 s12, s6;
	s14 =	simm.s32 @!p4 $0x0  }
0x25: {  	v2 =	vor.u32 $0x80, v8;
	[sflag:s5] =	ssyncadd.s32 $0xFFFFE000;
	s13 =	simm.s32 @!p1 $0x0;
	s6 =	sadd.s32 s14, s6  }
0x26: {  	v4 =	vld.idx.msk [tilespmem:v0+s4+$0x0], $0xffff;
	s7 =	sadd.f32 s7, s13;
	s12 =	simm.f32 $3.000000120e-01;
	v2 =	vadd.s32 s6, v2  }
0x27: {  	v5 =	vld.idx.msk [tilespmem:v1+s4+$0x0], $0xffff;
	s12 =	simm.s32 @!p3 $0x0;
	v3 =	vadd.s32 s6, v8  }
0x28: {  	s13 =	simm.f32 $5.000000000e-01;
	s7 =	ssub.f32 s7, s12  }
0x29: {  	s13 =	simm.s32 @!p2 $0x0  }
0x2a: {  	s12 =	simm.f32 $2.500000000e-01;
	s7 =	sadd.f32 s7, s13  }
0x2b: {  	s12 =	simm.s32 @!p4 $0x0;
	v6 =	vld.idx.msk [tilespmem:v2+s4+$0x0], $0xffff  }
0x2c: {  	v5 =	vsub.f32 v4, v5;
	s7 =	ssub.f32 s7, s12;
	v7 =	vld.idx.msk [tilespmem:v3+s4+$0x0], $0xffff;
	_ =	sdelay $0x1  }
0x2d: {  	v5 =	vand.u32 $0x7FFFFFFF, v5;
	v4 =	vmov s7  }
0x2e: {  	v5 =	vmul.f32 v5, v4;
	_ =	sdelay $0x1  }
0x2f: {  	v7 =	vadd.f32 $1.258291200e+07, v7;
	v5 =	vadd.f32 v5, v6;
	_ =	sdelay $0x1  }
0x30: {  	v6 =	vadd.f32 $-1.258291200e+07, v7;
	v5 =	vadd.f32 $1.258291200e+07, v5;
	_ =	sdelay $0x1  }
0x31: {  	v6 =	vmul.f32 $2.500000000e-01, v6;
	v5 =	vadd.f32 $-1.258291200e+07, v5;
	_ =	sdelay $0x1  }
0x32: {  	v6 =	vadd.f32 $1.258291200e+07, v6;
	v5 =	vmul.f32 $2.500000000e-01, v5;
	_ =	sdelay $0x1  }
0x33: {  	v6 =	vadd.f32 $-1.258291200e+07, v6;
	v5 =	vadd.f32 $1.258291200e+07, v5;
	_ =	sdelay $0x1  }
0x34: {  	v6 =	vtrunc.f32 v6;
	v5 =	vadd.f32 $-1.258291200e+07, v5  }
0x35: {  	v6 =	vcvt.f32.s32 v6  }
0x36: {  	v5 =	vtrunc.f32 v5  }
0x37: {  	vm0 =	vgt.s32 v6, $0x0;
	v7 =	vcvt.f32.s32 v5  }
0x38: {  	v5 =	vnsel vm0, $0x0, v6  }
0x39: {  	v6 =	vmin.u32 v5, $0x37;
	vm0 =	vgt.s32 v7, $0x0  }
0x3a: {  	v5 =	vor.u32 $0x1016, v8;
	v9 =	vmul.u32 $0x38, v6;
	v10 =	vnsel vm0, $0x0, v7  }
0x3b: {  	v6 =	vmul.u32 $0xC40, v12;
	v7 =	vor.u32 $0x1019, v8;
	v13 =	vmin.u32 v10, $0x37  }
0x3c: {  	v9 =	vadd.s32 v13, v9  }
0x3d: {  	v14 =	vadd.s32 v6, v9  }
0x3e: {  	v9 =	vor.u32 $0x1080, v8;
	[tilespmem:$0x2000] =	vst v14  }
0x3f: {  	v10 =	vor.u32 $0x1000, v8;
	v8 =	vadd.s32 s6, v9;
	v11 =	vld.idx.msk [tilespmem:v5+s4+$0x0], $0xffff  }
0x40: {  	v9 =	vadd.s32 s6, v10;
	v10 =	vld.idx.msk [tilespmem:v7+s4+$0x0], $0xffff;
	_ =	sdelay $0x3  }
0x41: {  	v15 =	vld.idx.msk [tilespmem:v8+s4+$0x0], $0xffff  }
0x42: {  	v16 =	vld.idx.msk [tilespmem:v9+s4+$0x0], $0xffff;
	v10 =	vsub.f32 v11, v10;
	_ =	sdelay $0x1  }
0x43: {  	v10 =	vand.u32 $0x7FFFFFFF, v10  }
0x44: {  	v10 =	vmul.f32 v10, v4;
	_ =	sdelay $0x1  }
0x45: {  	v11 =	vadd.f32 $1.258291200e+07, v16;
	v10 =	vadd.f32 v10, v15;
	_ =	sdelay $0x1  }
0x46: {  	v11 =	vadd.f32 $-1.258291200e+07, v11;
	v10 =	vadd.f32 $1.258291200e+07, v10;
	_ =	sdelay $0x1  }
0x47: {  	v11 =	vmul.f32 $2.500000000e-01, v11;
	v10 =	vadd.f32 $-1.258291200e+07, v10;
	_ =	sdelay $0x1  }
0x48: {  	v11 =	vadd.f32 $1.258291200e+07, v11;
	v10 =	vmul.f32 $2.500000000e-01, v10;
	_ =	sdelay $0x1  }
0x49: {  	v11 =	vadd.f32 $-1.258291200e+07, v11;
	v15 =	vadd.f32 $1.258291200e+07, v10  }
0x4a: {  	v61 =	vshrl.u32 v12, $0x3  }
0x4b: {  	v14 =	vshll.u32 v14, $0x1;
	v17 =	vtrunc.f32 v11;
	v15 =	vadd.f32 $-1.258291200e+07, v15  }
0x4c: {  	v13 =	vand.u32 $0x7, v13;
	v14 =	vand.u32 $0x7FFF0, v14;
	v62 =	vcvt.f32.s32 v17  }
0x4d: {  	v13 =	vor.u32 v13, v14;
	v10 =	vand.u32 $0x7, v12;
	v15 =	vtrunc.f32 v15  }
0x4e: {  	v12 =	vor.u32 $0x8, v12;
	vm0 =	vgt.s32 v62, $0x0;
	v14 =	vcvt.f32.s32 v15  }
0x4f: {  	v11 =	vmul.u32 $0x8, v61;
	v15 =	vperm.xlane v13, v10;
	v16 =	vnsel vm0, $0x0, v62  }
0x50: {  	v63 =	vperm.xlane v13, v12;
	v13 =	vmin.u32 v16, $0x37;
	vm0 =	vgt.s32 v14, $0x0  }
0x51: {  	v16 =	vmul.u32 $0x38, v13;
	v15 =	vadd.s32 v11, v15;
	v13 =	vnsel vm0, $0x0, v14  }
0x52: {  	v14 =	vmin.u32 v13, $0x37  }
0x53: {  	v17 =	vadd.s32 v11, v63;
	v13 =	vadd.s32 $0xC400, v6;
	v14 =	vadd.s32 v14, v16  }
0x54: {  	v14 =	vadd.s32 v13, v14  }
0x55: {  	s6 =	simm.s32 $0x2080;
	vm0 =	vmmov $0xffff;
	[tilespmem:$0x2010] =	vst v14  }
0x56: {  	[tilespmem:s6], [sflag:$0x2] =	stream.indirect_vreg.gather [hbm4b:s2+s4], $0x80, v15, vm0, $0xb8;
	[tilespmem:$0x4080] =	vst v63  }
0x57: {  	s7 =	simm.s32 $0x2880  }
0x58: {  	[tilespmem:s7], [sflag:$0x2] =	stream.indirect_vreg.gather [hbm4b:s2+s4], $0x80, v17, vm0, $0xb8;
	[tilespmem:$0x4080] =	vst v63  }
0x59: {  	v14 =	vld [tilespmem:$0x2010];
	_ =	sdelay $0x4  }
0x5a: {  	v15 =	vshll.u32 v14, $0x1  }
0x5b: {  	v14 =	vand.u32 $0x7, v14;
	v15 =	vand.u32 $0xFFFFFFF0, v15  }
0x5c: {  	v14 =	vor.u32 v14, v15  }
0x5d: {  	v15 =	vperm.xlane v14, v10;
	_ =	sdelay $0x1  }
0x5e: {  	v14 =	vperm.xlane v14, v12;
	v15 =	vadd.s32 v11, v15  }
0x5f: {  	s30 =	ssub.s32 $0x2, s11  }
0x60: {  	s31 =	sshrl.u32 s30, $0x1;
	v14 =	vadd.s32 v11, v14  }
0x61: {  	s14 =	ssub.s32 s30, s31  }
0x62: {  	s29 =	sshll.u32 s10, $0xA;
	s10 =	simm.s32 $0x3080;
	s14 =	smax.u32 s14, $0x1  }
0x63: {  	[tilespmem:s10], [sflag:$0x2] =	stream.indirect_vreg.gather [hbm4b:s2+s4], $0x80, v15, vm0, $0xb8;
	[tilespmem:$0x4080] =	vst v63  }
0x64: {  	s8 =	smov.u32 @p0 s9;
	s11 =	simm.s32 $0x3880;
	p0 =	sne.s32 s14, $0x1  }
0x65: {  	[tilespmem:s11], [sflag:$0x2] =	stream.indirect_vreg.gather [hbm4b:s2+s4], $0x80, v14, vm0, $0xb8;
	[tilespmem:$0x4080] =	vst v63  }
.Ltmp1:
0x66: {  	s12 =	simm.s32 $0x2;
	(pc) =	sbr.rel @!p0 .LBB2_3-.Ltmp1, $4  }
0x67: {  	_ =	swait.ge [sflag:s12], $0x2000  }
0x68: {  	s9 =	simm.s32 $0x3;
	s13 =	sand.u32 $0x1FFFFC00, s29;
	[sflag:s12] =	ssyncset.done $0x0  }
0x69: {  	s8 =	sadd.s32 s8, s13;
	s13 =	sadd.s32 $0xFFFFFFFF, s14;
	[sflag:s12] =	ssyncadd.s32 $0xFFFFE000  }
0x6a: {  	[hbm4b:s8+s4] =	stream.linear.scatter [tilespmem:s6], [sflag:$0x3], $0x2000, $0x38;
	[tilespmem:$0x4080] =	vst v63  }
.LBB2_2:
0x6b: {  	p0 =	sne.s32 s13, $0x1;
	s13 =	sadd.s32 $0xFFFFFFFF, s13;
	_ =	swait.ge [sflag:s9], $0x2000  }
0x6c: {  	[sflag:s9] =	ssyncset.done $0x0  }
0x6d: {  	[sflag:s9] =	ssyncadd.s32 $0xFFFFE000  }
0x6e: {  	[tilespmem:s4], [sflag:$0x1] =	stream.linear.gather [hbm4b:s3+s4], $0x2000, $0x38;
	[tilespmem:$0x4080] =	vst v63  }
0x6f: {  	_ =	swait.ge [sflag:s5], $0x2000  }
0x70: {  	[sflag:s5] =	ssyncset.done $0x0  }
0x71: {  	[sflag:s5] =	ssyncadd.s32 $0xFFFFE000  }
0x72: {  	v14 =	vld.idx.msk [tilespmem:v0+s4+$0x0], $0xffff  }
0x73: {  	v15 =	vld.idx.msk [tilespmem:v1+s4+$0x0], $0xffff;
	_ =	sdelay $0x2  }
0x74: {  	v16 =	vld.idx.msk [tilespmem:v2+s4+$0x0], $0xffff  }
0x75: {  	v17 =	vld.idx.msk [tilespmem:v3+s4+$0x0], $0xffff;
	_ =	sdelay $0x1  }
0x76: {  	v14 =	vsub.f32 v14, v15;
	_ =	sdelay $0x1  }
0x77: {  	v14 =	vand.u32 $0x7FFFFFFF, v14  }
0x78: {  	v14 =	vmul.f32 v14, v4  }
0x79: {  	v15 =	vadd.f32 $1.258291200e+07, v17  }
0x7a: {  	v14 =	vadd.f32 v14, v16  }
0x7b: {  	v15 =	vadd.f32 $-1.258291200e+07, v15  }
0x7c: {  	v14 =	vadd.f32 $1.258291200e+07, v14  }
0x7d: {  	v15 =	vmul.f32 $2.500000000e-01, v15  }
0x7e: {  	v14 =	vadd.f32 $-1.258291200e+07, v14  }
0x7f: {  	v15 =	vadd.f32 $1.258291200e+07, v15  }
0x80: {  	v14 =	vmul.f32 $2.500000000e-01, v14  }
0x81: {  	v15 =	vadd.f32 $-1.258291200e+07, v15  }
0x82: {  	v14 =	vadd.f32 $1.258291200e+07, v14  }
0x83: {  	v15 =	vtrunc.f32 v15  }
0x84: {  	v15 =	vcvt.f32.s32 v15;
	v14 =	vadd.f32 $-1.258291200e+07, v14;
	_ =	sdelay $0x1  }
0x85: {  	v14 =	vtrunc.f32 v14;
	vm1 =	vgt.s32 v15, $0x0  }
0x86: {  	v14 =	vcvt.f32.s32 v14;
	v15 =	vnsel vm1, $0x0, v15  }
0x87: {  	v15 =	vmin.u32 v15, $0x37  }
0x88: {  	vm1 =	vgt.s32 v14, $0x0;
	v15 =	vmul.u32 $0x38, v15  }
0x89: {  	v14 =	vnsel vm1, $0x0, v14  }
0x8a: {  	v14 =	vmin.u32 v14, $0x37  }
0x8b: {  	v15 =	vadd.s32 v14, v15  }
0x8c: {  	v15 =	vadd.s32 v6, v15  }
0x8d: {  	[tilespmem:$0x2000] =	vst v15;
	v15 =	vshll.u32 v15, $0x1  }
0x8e: {  	v14 =	vand.u32 $0x7, v14;
	v16 =	vld.idx.msk [tilespmem:v5+s4+$0x0], $0xffff;
	v15 =	vand.u32 $0x7FFF0, v15  }
0x8f: {  	v17 =	vld.idx.msk [tilespmem:v7+s4+$0x0], $0xffff;
	v14 =	vor.u32 v14, v15  }
0x90: {  	v15 =	vperm.xlane v14, v10;
	v14 =	vperm.xlane v14, v12  }
0x91: {  	v18 =	vld.idx.msk [tilespmem:v8+s4+$0x0], $0xffff  }
0x92: {  	v19 =	vld.idx.msk [tilespmem:v9+s4+$0x0], $0xffff;
	_ =	sdelay $0x2  }
0x93: {  	v16 =	vsub.f32 v16, v17;
	_ =	sdelay $0x1  }
0x94: {  	v16 =	vand.u32 $0x7FFFFFFF, v16  }
0x95: {  	v16 =	vmul.f32 v16, v4;
	v17 =	vadd.f32 $1.258291200e+07, v19;
	_ =	sdelay $0x1  }
0x96: {  	v16 =	vadd.f32 v16, v18;
	v17 =	vadd.f32 $-1.258291200e+07, v17;
	_ =	sdelay $0x1  }
0x97: {  	v17 =	vmul.f32 $2.500000000e-01, v17;
	v16 =	vadd.f32 $1.258291200e+07, v16;
	_ =	sdelay $0x1  }
0x98: {  	v17 =	vadd.f32 $1.258291200e+07, v17;
	v16 =	vadd.f32 $-1.258291200e+07, v16;
	_ =	sdelay $0x1  }
0x99: {  	v17 =	vadd.f32 $-1.258291200e+07, v17;
	v16 =	vmul.f32 $2.500000000e-01, v16;
	_ =	sdelay $0x1  }
0x9a: {  	v17 =	vtrunc.f32 v17;
	v16 =	vadd.f32 $1.258291200e+07, v16  }
0x9b: {  	v17 =	vcvt.f32.s32 v17  }
0x9c: {  	v16 =	vadd.f32 $-1.258291200e+07, v16  }
0x9d: {  	vm1 =	vgt.s32 v17, $0x0  }
0x9e: {  	v16 =	vtrunc.f32 v16;
	v17 =	vnsel vm1, $0x0, v17  }
0x9f: {  	v16 =	vcvt.f32.s32 v16;
	v17 =	vmin.u32 v17, $0x37  }
0xa0: {  	v15 =	vadd.s32 v11, v15;
	v17 =	vmul.u32 $0x38, v17  }
0xa1: {  	vm1 =	vgt.s32 v16, $0x0  }
0xa2: {  	v14 =	vadd.s32 v11, v14;
	v16 =	vnsel vm1, $0x0, v16  }
0xa3: {  	v16 =	vmin.u32 v16, $0x37  }
0xa4: {  	v16 =	vadd.s32 v16, v17  }
0xa5: {  	v16 =	vadd.s32 v13, v16  }
0xa6: {  	[tilespmem:$0x2010] =	vst v16  }
0xa7: {  	[tilespmem:s6], [sflag:$0x2] =	stream.indirect_vreg.gather [hbm4b:s2+s4], $0x80, v15, vm0, $0xb8;
	[tilespmem:$0x4080] =	vst v63  }
0xa8: {  	_ = 	snop  }
0xa9: {  	[tilespmem:s7], [sflag:$0x2] =	stream.indirect_vreg.gather [hbm4b:s2+s4], $0x80, v14, vm0, $0xb8;
	[tilespmem:$0x4080] =	vst v63  }
0xaa: {  	v14 =	vld [tilespmem:$0x2010];
	_ =	sdelay $0x4  }
0xab: {  	v15 =	vand.u32 $0x7, v14;
	v14 =	vshll.u32 v14, $0x1  }
0xac: {  	v14 =	vand.u32 $0xFFFFFFF0, v14  }
0xad: {  	v14 =	vor.u32 v15, v14  }
0xae: {  	v15 =	vperm.xlane v14, v10;
	v14 =	vperm.xlane v14, v12;
	_ =	sdelay $0x1  }
0xaf: {  	v15 =	vadd.s32 v11, v15;
	v14 =	vadd.s32 v11, v14;
	_ =	sdelay $0x4  }
0xb0: {  	[tilespmem:s10], [sflag:$0x2] =	stream.indirect_vreg.gather [hbm4b:s2+s4], $0x80, v15, vm0, $0xb8;
	[tilespmem:$0x4080] =	vst v63  }
0xb1: {  	_ = 	snop  }
0xb2: {  	[tilespmem:s11], [sflag:$0x2] =	stream.indirect_vreg.gather [hbm4b:s2+s4], $0x80, v14, vm0, $0xb8;
	[tilespmem:$0x4080] =	vst v63  }
.Ltmp2:
0xb3: {  	_ = 	snop;
	(pc) =	sbr.rel @p0 .LBB2_2-.Ltmp2, $4  }
0xb4: {  	_ =	swait.ge [sflag:s12], $0x2000  }
0xb5: {  	[sflag:s12] =	ssyncset.done $0x0  }
0xb6: {  	[sflag:s12] =	ssyncadd.s32 $0xFFFFE000  }
0xb7: {  	[hbm4b:s8+s4] =	stream.linear.scatter [tilespmem:s6], [sflag:$0x3], $0x2000, $0x38;
	[tilespmem:$0x4080] =	vst v63  }
.LBB2_3:
0xb8: {  	_ =	swait.ge [sflag:s9], $0x2000  }
0xb9: {  	[sflag:s9] =	ssyncset.done $0x0  }
0xba: {  	[sflag:s9] =	ssyncadd.s32 $0xFFFFE000  }
.LBB2_4:
0xbb: {  	_ =	sfence.sel $0x180000  }
0xbc: {  	[bflag:$0x0] =	sbarrier.arrive $0xFFFF  }
0xbd: {  	p0 =	sne.s32 s1, $0x0;
	_ =	strace $0x90000047  }
0xbe: {  	s0 =	sadd.s32 @!p0 $0x100000, s0;
	[bflag:$0x2] =	sbarrier.arrive $0xFFFF  }
0xbf: {  	[sflag:s0] =	ssyncadd.tile.s32 @!p0 $0x1;
	_ =	shalt  }
.Lfunc_end2:
_tile_overlayer_lowered:
.L_overlay_start_2:
0xc0: {  	(tag) =	ssettag $0x2  }
0xc1: {  	s0 =	rddreg [dreg:$0x0];
	s2 =	stileid.u32  }
0xc2: {  	s1 =	rddreg [dreg:$0x1];
	p0 =	sne.s32 s2, $0x0  }
0xc3: {  	s3 =	rddreg [dreg:$0x2];
	[bflag:$0x3] =	sbarrier.arrive $0xFFFF;
	s2 =	simm.s32 @!p0 $0x1C03  }
0xc4: {  	[timem:s3], [sflag:s2] =	dma.local @!p0 [hbm:s0], s1  }
0xc5: {  	s0 =	simm.s32 @!p0 $0x3  }
0xc6: {  	_ =	swait.ge @!p0 [sflag:s0], s1  }
0xc7: {  	s1 =	ssub.s32 @!p0 $0x0, s1;
	[sflag:s0] =	ssyncset.done @!p0 $0x0  }
0xc8: {  	[sflag:s0] =	ssyncadd.s32 @!p0 s1  }
0xc9: {  	[bflag:$0x3] =	sbarrier.arrive $0xFFFF  }
0xca: {  	_ =	shalt  }

</sc_bundles>
